<compile_context>
chip_gen: v7x
topology: tpu7x:2x2x1
jax: 0.10.2.dev20260603
libtpu: 0.0.44.dev20260713+nightly
codegen_flags: <defaults>
</compile_context>

<pallas_src>
import functools

import jax
import jax.numpy as jnp
from jax import lax
from jax.experimental import pallas as pl
from jax.experimental.pallas import tpu as pltpu
from jax.experimental.pallas import tpu_sc as plsc

_KT = 1024
_ST = 512


def _retrieval_body(x_ref, keys_ref, d2_out, idx_out, acc_ref, tidx_ref):
    t = pl.program_id(0)
    nt = pl.num_programs(0)
    q = x_ref[:, 0, :]
    kb = keys_ref[...]
    dot = lax.dot_general(
        q.astype(jnp.bfloat16), kb.astype(jnp.bfloat16),
        (((1,), (1,)), ((), ())),
        preferred_element_type=jnp.float32,
    )
    k2 = jnp.sum(kb * kb, axis=1)
    q2 = jnp.sum(q * q, axis=1)
    d2 = q2[:, None] + k2[None, :] - 2.0 * dot

    @pl.when(t == 0)
    def _init():
        acc_ref[...] = d2
        tidx_ref[...] = jnp.zeros_like(tidx_ref)

    @pl.when(t > 0)
    def _update():
        better = d2 < acc_ref[...]
        acc_ref[...] = jnp.where(better, d2, acc_ref[...])
        tidx_ref[...] = jnp.where(better, t, tidx_ref[...])

    @pl.when(t == nt - 1)
    def _finalize():
        acc = acc_ref[...]
        m = jnp.min(acc, axis=1, keepdims=True)
        lane = lax.broadcasted_iota(jnp.int32, acc.shape, 1)
        gidx_all = tidx_ref[...] * _KT + lane
        cand = jnp.where(acc == m, gidx_all, jnp.int32(2**31 - 1))
        gidx = jnp.min(cand, axis=1, keepdims=True)
        d2_out[...] = jnp.broadcast_to(m, d2_out.shape)
        idx_out[...] = jnp.broadcast_to(gidx, idx_out.shape)


def _retrieval(x, keys):
    K, D = keys.shape
    B = x.shape[0]
    return pl.pallas_call(
        _retrieval_body,
        grid=(K // _KT,),
        in_specs=[
            pl.BlockSpec((B, 8, D), lambda t: (0, 0, 0)),
            pl.BlockSpec((_KT, D), lambda t: (t, 0)),
        ],
        out_specs=[
            pl.BlockSpec((B, 128), lambda t: (0, 0)),
            pl.BlockSpec((B, 128), lambda t: (0, 0)),
        ],
        out_shape=[
            jax.ShapeDtypeStruct((B, 128), jnp.float32),
            jax.ShapeDtypeStruct((B, 128), jnp.int32),
        ],
        scratch_shapes=[
            pltpu.VMEM((B, _KT), jnp.float32),
            pltpu.VMEM((B, _KT), jnp.int32),
        ],
    )(x, keys)


def _sc_gather(values, eps1d, idxb, d2b):
    K, D = values.shape

    mesh = plsc.VectorSubcoreMesh(core_axis_name="c", subcore_axis_name="s", num_cores=1, num_subcores=1)

    @functools.partial(
        pl.kernel,
        mesh=mesh,
        compiler_params=pltpu.CompilerParams(needs_layout_passes=False),
        out_type=[
            jax.ShapeDtypeStruct((16, D), jnp.float32),
            jax.ShapeDtypeStruct((16,), jnp.int32),
        ],
        scratch_types=[
            pltpu.VMEM((4, 128), jnp.int32),
            pltpu.VMEM((4, 128), jnp.float32),
            pltpu.VMEM((K,), jnp.float32),
            pltpu.VMEM((16,), jnp.int32),
            pltpu.VMEM((16, D), jnp.float32),
            pltpu.VMEM((16,), jnp.int32),
            pltpu.SemaphoreType.DMA,
            pltpu.SemaphoreType.DMA,
            pltpu.SemaphoreType.DMA,
            pltpu.SemaphoreType.DMA,
            pltpu.SemaphoreType.DMA,
            pltpu.SemaphoreType.DMA,
        ],
    )
    def k(values_hbm, eps_hbm, idxb_hbm, d2b_hbm, rep_out, mask_out,
          idxb_v, d2b_v, eps_v, idx_v, rows_v, mask_v,
          sem1, sem2, sem3, sem4, sem5, sem6):
        cid = lax.axis_index("c")
        sid = lax.axis_index("s")

        @pl.when(jnp.logical_and(cid == 0, sid == 0))
        def _():
            c1 = pltpu.async_copy(idxb_hbm, idxb_v, sem1)
            c2 = pltpu.async_copy(d2b_hbm, d2b_v, sem2)
            c3 = pltpu.async_copy(eps_hbm, eps_v, sem3)
            c1.wait()
            row = jnp.minimum(lax.iota(jnp.int32, 16), 3)
            col = jnp.zeros((16,), jnp.int32)
            iv = plsc.load_gather(idxb_v, [row, col])
            idx_v[...] = iv
            g = pltpu.async_copy(values_hbm.at[idx_v], rows_v, sem4)
            c2.wait()
            c3.wait()
            d2 = plsc.load_gather(d2b_v, [row, col])
            epsg = plsc.load_gather(eps_v, [iv])
            d2c = jnp.maximum(d2, 1e-12)
            mask_v[...] = jnp.where(d2c <= epsg * epsg, 1, 0).astype(jnp.int32)
            cm = pltpu.async_copy(mask_v, mask_out, sem5)
            g.wait()
            cr = pltpu.async_copy(rows_v, rep_out, sem6)
            cm.wait()
            cr.wait()

    return k(values, eps1d, idxb, d2b)


def _linear_body(mask_ref, x_ref, w_ref, bias_ref, rep_ref, out_ref, wbf_ref):
    bi = pl.program_id(0)
    si = pl.program_id(1)
    m = mask_ref[bi]

    @pl.when(jnp.logical_and(bi == 0, si == 0))
    def _cast_w():
        wbf_ref[...] = w_ref[...].astype(jnp.bfloat16)

    @pl.when(m == 0)
    def _compute():
        acc = lax.dot_general(
            x_ref[0].astype(jnp.bfloat16), wbf_ref[...],
            (((1,), (1,)), ((), ())),
            preferred_element_type=jnp.float32,
        )
        out_ref[0] = acc + bias_ref[...]

    @pl.when(m != 0)
    def _replace():
        out_ref[0] = jnp.broadcast_to(rep_ref[0], out_ref.shape[1:])


def _linear(mask16, x, w, bias2d, rep16):
    B, S, D = x.shape
    grid_spec = pltpu.PrefetchScalarGridSpec(
        num_scalar_prefetch=1,
        grid=(B, S // _ST),
        in_specs=[
            pl.BlockSpec(
                (1, _ST, D),
                lambda b, s, mref: (b, jnp.where(mref[b] == 0, s, 0), 0)),
            pl.BlockSpec((D, D), lambda b, s, mref: (0, 0)),
            pl.BlockSpec((1, D), lambda b, s, mref: (0, 0)),
            pl.BlockSpec((1, 1, D), lambda b, s, mref: (b, 0, 0)),
        ],
        out_specs=pl.BlockSpec((1, _ST, D), lambda b, s, mref: (b, s, 0)),
        scratch_shapes=[pltpu.VMEM((D, D), jnp.bfloat16)],
    )
    return pl.pallas_call(
        _linear_body,
        grid_spec=grid_spec,
        out_shape=jax.ShapeDtypeStruct((B, S, D), jnp.float32),
        compiler_params=pltpu.CompilerParams(
            vmem_limit_bytes=112 * 1024 * 1024),
    )(mask16, x, w, bias2d, rep16)


def kernel(x, W, b, codebook_keys, codebook_values, epsilons):
    B, S, D = x.shape
    K = codebook_keys.shape[0]

    d2b, idxb = _retrieval(x, codebook_keys)

    rep16, mask16 = _sc_gather(codebook_values, epsilons.reshape(K),
                               idxb, d2b)

    out = _linear(mask16, x, W, b.reshape(1, D), rep16.reshape(16, 1, D))
    return out

# --- scband reference (transcript-rebuilt; emitter-appended) ---
"""Pipeline reference for scband-balanc-edit-53549652246980 (READ-ONLY COPY).

The authoritative reference and input builder live on the scoring server;
editing this copy changes nothing except your own understanding.
"""

import jax, jax.numpy as jnp
import numpy as np

B, S, D = 4, 2048, 2048
K = 4096
KEY_ID = -1

def setup_inputs(seed: int = 0) -> dict:
    key = jax.random.key(seed)
    ks = jax.random.split(key, 6)
    x = jax.random.normal(ks[0], (B, S, D), dtype=jnp.float32)
    W = jax.random.normal(ks[1], (D, D), dtype=jnp.float32) * 0.02
    b = jnp.zeros((D,), dtype=jnp.float32)
    codebook_keys = jax.random.normal(ks[2], (K, D), dtype=jnp.float32)
    codebook_values = jax.random.normal(ks[3], (K, D), dtype=jnp.float32)
    epsilons = jax.random.uniform(ks[4], (K, 1), dtype=jnp.float32, minval=20.0, maxval=80.0)
    return {"x": x, "W": W, "b": b, "codebook_keys": codebook_keys,
            "codebook_values": codebook_values, "epsilons": epsilons}

def _cdist(a, bmat):
    # euclidean distance matrix [K, Q], faithful to torch.cdist(a, b, p=2)
    a2 = jnp.sum(a * a, axis=-1, keepdims=True)          # [K, 1]
    b2 = jnp.sum(bmat * bmat, axis=-1, keepdims=True).T  # [1, Q]
    d2 = a2 + b2 - 2.0 * (a @ bmat.T)
    return jnp.sqrt(jnp.maximum(d2, 1e-12))

def reference(x, W, b, codebook_keys, codebook_values, epsilons):
    # wrapped layer: Linear
    layer_out = x @ W.T + b                               # [B, S, D]
    token_to_edit = -KEY_ID - 1                           # = 0
    query = x[:, token_to_edit, :]                        # [B, D]
    dists = _cdist(codebook_keys, query)                  # [K, B]
    smallest_dist = jnp.min(dists, axis=0).reshape(-1, 1) # [B, 1]
    chosen_key = jnp.argmin(dists, axis=0)                # [B]
    chosen_value = codebook_values[chosen_key]            # [B, D]
    eps = epsilons[chosen_key].reshape(-1, 1)             # [B, 1]
    mask = (smallest_dist <= eps)                         # [B, 1]
    # replacement == 'replace_all'
    rep = jnp.broadcast_to(chosen_value[:, None, :], layer_out.shape)
    out = jnp.where(mask[:, :, None], rep, layer_out)
    return out

if __name__ == "__main__":
    import jax
    _d = setup_inputs()
    print(jax.jit(kernel)(*tuple(_d.values())))

</pallas_src>

<mosaic_0001>
#map = affine_map<(d0, d1) -> (0, 0)>
#map1 = affine_map<(d0, d1) -> (0)>
module attributes {stable_mosaic.version = 14 : i64} {
  func.func @k(%arg0: i32, %arg1: i32, %arg2: memref<4096x2048xf32, #tpu.memory_space<hbm>>, %arg3: memref<4096xf32, #tpu.memory_space<hbm>>, %arg4: memref<4x128xi32, #tpu.memory_space<hbm>>, %arg5: memref<4x128xf32, #tpu.memory_space<hbm>>, %arg6: memref<16x2048xf32, #tpu.memory_space<hbm>>, %arg7: memref<16xi32, #tpu.memory_space<hbm>>, %arg8: memref<4x128xi32, #tpu.memory_space<vmem>>, %arg9: memref<4x128xf32, #tpu.memory_space<vmem>>, %arg10: memref<4096xf32, #tpu.memory_space<vmem>>, %arg11: memref<16xi32, #tpu.memory_space<vmem>>, %arg12: memref<16x2048xf32, #tpu.memory_space<vmem>>, %arg13: memref<16xi32, #tpu.memory_space<vmem>>, %arg14: memref<!tpu.dma_semaphore, #tpu.memory_space<semaphore_mem>>, %arg15: memref<!tpu.dma_semaphore, #tpu.memory_space<semaphore_mem>>, %arg16: memref<!tpu.dma_semaphore, #tpu.memory_space<semaphore_mem>>, %arg17: memref<!tpu.dma_semaphore, #tpu.memory_space<semaphore_mem>>, %arg18: memref<!tpu.dma_semaphore, #tpu.memory_space<semaphore_mem>>, %arg19: memref<!tpu.dma_semaphore, #tpu.memory_space<semaphore_mem>>) attributes {dimension_semantics = [#tpu.dimension_semantics<core_parallel>, #tpu.dimension_semantics<subcore_parallel>], iteration_bounds = array<i64: 1, 1>, scalar_prefetch = 0 : i64, scratch_operands = 12 : i64, tpu.core_type = #tpu.core_type<sc_vector_subcore>, window_params = [{transform_indices = #map}, {transform_indices = #map1}, {transform_indices = #map}, {transform_indices = #map}, {transform_indices = #map}, {transform_indices = #map1}]} {
    %eq3A = arith.constant 0 : i32
    %eq3A_0 = arith.cmpi eq, %arg0, %eq3A : i32
    %eq3A_1 = arith.constant 0 : i32
    %eq3A_2 = arith.cmpi eq, %arg1, %eq3A_1 : i32
    %and3A = arith.andi %eq3A_0, %eq3A_2 : i1
    %convert_element_type3A = arith.extui %and3A : i1 to i32
    %cond3A = arith.constant 0 : i32
    %cond3A_3 = arith.cmpi ne, %convert_element_type3A, %cond3A : i32
    scf.if %cond3A_3 {
      tpu.enqueue_dma source(%arg4 : memref<4x128xi32, #tpu.memory_space<hbm>>) target(%arg8 : memref<4x128xi32, #tpu.memory_space<vmem>>) target_semaphore(%arg14 : memref<!tpu.dma_semaphore, #tpu.memory_space<semaphore_mem>>)
      tpu.enqueue_dma source(%arg5 : memref<4x128xf32, #tpu.memory_space<hbm>>) target(%arg9 : memref<4x128xf32, #tpu.memory_space<vmem>>) target_semaphore(%arg15 : memref<!tpu.dma_semaphore, #tpu.memory_space<semaphore_mem>>)
      tpu.enqueue_dma source(%arg3 : memref<4096xf32, #tpu.memory_space<hbm>>) target(%arg10 : memref<4096xf32, #tpu.memory_space<vmem>>) target_semaphore(%arg16 : memref<!tpu.dma_semaphore, #tpu.memory_space<semaphore_mem>>)
      tpu.wait_dma2 semaphore(%arg14 : memref<!tpu.dma_semaphore, #tpu.memory_space<semaphore_mem>>) src(%arg4 : memref<4x128xi32, #tpu.memory_space<hbm>>) dst(%arg8 : memref<4x128xi32, #tpu.memory_space<vmem>>)
      %iota3A = tpu.iota {dimensions = array<i32: 0>} : vector<16xi32>
      %min3A = arith.constant 3 : i32
      %min3A_4 = vector.broadcast %min3A : i32 to vector<16xi32>
      %min3A_5 = arith.minsi %iota3A, %min3A_4 : vector<16xi32>
      %broadcast_in_dim3A = arith.constant 0 : i32
      %broadcast_in_dim3A_6 = vector.broadcast %broadcast_in_dim3A : i32 to vector<16xi32>
      %gather3A = tpu.vector_load_idx %arg8[%min3A_5, %broadcast_in_dim3A_6] : memref<4x128xi32, #tpu.memory_space<vmem>>[vector<16xi32>, vector<16xi32>], vector<16xi32>,
      %swap3A = arith.constant 0 : index
      %swap3A_7 = tpu.vector_load %arg11[%swap3A] {strides = array<i32>} : memref<16xi32, #tpu.memory_space<vmem>>, vector<16xi32>,
      tpu.vector_store %arg11[%swap3A], %gather3A {strides = array<i32>} : memref<16xi32, #tpu.memory_space<vmem>>, vector<16xi32>,
      %dma_start3A = arith.constant 0 : i32
      %dma_start3A_8 = arith.constant 0 : i32
      %dma_start3A_9 = tpu.memref_slice %arg2[%dma_start3A, %dma_start3A_8] : memref<4096x2048xf32, #tpu.memory_space<hbm>> -> memref<4096x2048xf32, #tpu.memory_space<hbm>>
      tpu.enqueue_indirect_dma source(%dma_start3A_9 : memref<4096x2048xf32, #tpu.memory_space<hbm>>) target(%arg12 : memref<16x2048xf32, #tpu.memory_space<vmem>>) offsets(%arg11 : memref<16xi32, #tpu.memory_space<vmem>>) semaphore(%arg17 : memref<!tpu.dma_semaphore, #tpu.memory_space<semaphore_mem>>)
      tpu.wait_dma2 semaphore(%arg15 : memref<!tpu.dma_semaphore, #tpu.memory_space<semaphore_mem>>) src(%arg5 : memref<4x128xf32, #tpu.memory_space<hbm>>) dst(%arg9 : memref<4x128xf32, #tpu.memory_space<vmem>>)
      tpu.wait_dma2 semaphore(%arg16 : memref<!tpu.dma_semaphore, #tpu.memory_space<semaphore_mem>>) src(%arg3 : memref<4096xf32, #tpu.memory_space<hbm>>) dst(%arg10 : memref<4096xf32, #tpu.memory_space<vmem>>)
      %gather3A_10 = tpu.vector_load_idx %arg9[%min3A_5, %broadcast_in_dim3A_6] : memref<4x128xf32, #tpu.memory_space<vmem>>[vector<16xi32>, vector<16xi32>], vector<16xf32>,
      %gather3A_11 = tpu.vector_load_idx %arg10[%gather3A] : memref<4096xf32, #tpu.memory_space<vmem>>[vector<16xi32>], vector<16xf32>,
      %max3A = arith.constant 9.99999996E-13 : f32
      %max3A_12 = vector.broadcast %max3A : f32 to vector<16xf32>
      %max3A_13 = arith.maximumf %gather3A_10, %max3A_12 : vector<16xf32>
      %mul3A = arith.mulf %gather3A_11, %gather3A_11 : vector<16xf32>
      %le3A = arith.cmpf ole, %max3A_13, %mul3A : vector<16xf32>
      %jit3A = arith.constant 1 : i32
      %jit3A_14 = arith.constant 0 : i32
      %broadcast_in_dim3A_15 = vector.broadcast %jit3A : i32 to vector<16xi32>
      %broadcast_in_dim3A_16 = vector.broadcast %jit3A_14 : i32 to vector<16xi32>
      %select_n3A = arith.select %le3A, %broadcast_in_dim3A_15, %broadcast_in_dim3A_16 : vector<16xi1>, vector<16xi32>
      %swap3A_17 = arith.constant 0 : index
      %swap3A_18 = tpu.vector_load %arg13[%swap3A_17] {strides = array<i32>} : memref<16xi32, #tpu.memory_space<vmem>>, vector<16xi32>,
      tpu.vector_store %arg13[%swap3A_17], %select_n3A {strides = array<i32>} : memref<16xi32, #tpu.memory_space<vmem>>, vector<16xi32>,
      tpu.enqueue_dma source(%arg13 : memref<16xi32, #tpu.memory_space<vmem>>) target(%arg7 : memref<16xi32, #tpu.memory_space<hbm>>) target_semaphore(%arg18 : memref<!tpu.dma_semaphore, #tpu.memory_space<semaphore_mem>>)
      %dma_wait3A = arith.constant 0 : i32
      %dma_wait3A_19 = arith.constant 0 : i32
      %dma_wait3A_20 = tpu.memref_slice %arg2[%dma_wait3A, %dma_wait3A_19] : memref<4096x2048xf32, #tpu.memory_space<hbm>> -> memref<4096x2048xf32, #tpu.memory_space<hbm>>
      tpu.wait_indirect_dma semaphore(%arg17 : memref<!tpu.dma_semaphore, #tpu.memory_space<semaphore_mem>>) src(%dma_wait3A_20 : memref<4096x2048xf32, #tpu.memory_space<hbm>>) dst(%arg12 : memref<16x2048xf32, #tpu.memory_space<vmem>>)
      tpu.enqueue_dma source(%arg12 : memref<16x2048xf32, #tpu.memory_space<vmem>>) target(%arg6 : memref<16x2048xf32, #tpu.memory_space<hbm>>) target_semaphore(%arg19 : memref<!tpu.dma_semaphore, #tpu.memory_space<semaphore_mem>>)
      tpu.wait_dma2 semaphore(%arg18 : memref<!tpu.dma_semaphore, #tpu.memory_space<semaphore_mem>>) src(%arg13 : memref<16xi32, #tpu.memory_space<vmem>>) dst(%arg7 : memref<16xi32, #tpu.memory_space<hbm>>)
      tpu.wait_dma2 semaphore(%arg19 : memref<!tpu.dma_semaphore, #tpu.memory_space<semaphore_mem>>) src(%arg12 : memref<16x2048xf32, #tpu.memory_space<vmem>>) dst(%arg6 : memref<16x2048xf32, #tpu.memory_space<hbm>>)
    } else {
    }
    return
  }
}

module attributes {stable_mosaic.version = 14 : i64} {
  func.func @_retrieval_body(%arg0: i32, %arg1: memref<4x8x2048xf32, #tpu.memory_space<vmem>>, %arg2: memref<1024x2048xf32, #tpu.memory_space<vmem>>, %arg3: memref<4x128xf32, #tpu.memory_space<vmem>>, %arg4: memref<4x128xi32, #tpu.memory_space<vmem>>, %arg5: memref<4x1024xf32, #tpu.memory_space<vmem>>, %arg6: memref<4x1024xi32, #tpu.memory_space<vmem>>) attributes {dimension_semantics = [#tpu.dimension_semantics<arbitrary>], iteration_bounds = array<i64: 4>, scalar_prefetch = 0 : i64, scratch_operands = 2 : i64, tpu.core_type = #tpu.core_type<tc>, window_params = [{transform_indices = @transform_0, window_bounds = array<i64: 4, 8, 2048>}, {transform_indices = @transform_1, window_bounds = array<i64: 1024, 2048>}, {pipeline_mode = #tpu.pipeline_mode<synchronous>, transform_indices = @transform_2, window_bounds = array<i64: 4, 128>}, {pipeline_mode = #tpu.pipeline_mode<synchronous>, transform_indices = @transform_3, window_bounds = array<i64: 4, 128>}]} {
    %get3A = arith.constant 0 : index
    %get3A_0 = arith.constant 0 : index
    %get3A_1 = arith.constant 0 : index
    %get3A_2 = vector.load %arg1[%get3A, %get3A_0, %get3A_1] : memref<4x8x2048xf32, #tpu.memory_space<vmem>>, vector<4x1x2048xf32>
    %get3A_3 = vector.shape_cast %get3A_2 : vector<4x1x2048xf32> to vector<4x2048xf32>
    %get3A_4 = arith.constant 0 : index
    %get3A_5 = arith.constant 0 : index
    %get3A_6 = vector.load %arg2[%get3A_4, %get3A_5] : memref<1024x2048xf32, #tpu.memory_space<vmem>>, vector<1024x2048xf32>
    %convert_element_type3A = arith.truncf %get3A_3 : vector<4x2048xf32> to vector<4x2048xbf16>
    %convert_element_type3A_7 = arith.truncf %get3A_6 : vector<1024x2048xf32> to vector<1024x2048xbf16>
    %dot_general3A = arith.constant dense<0.000000e+00> : vector<4x1024xf32>
    %dot_general3A_8 = tpu.matmul %convert_element_type3A, %convert_element_type3A_7, %dot_general3A {dimension_numbers = #tpu.dot_dimension_numbers<[1], [1], [0], [0], [0, 0, 1, 0], [], []>, transpose_lhs_hint = false} : vector<4x2048xbf16>, vector<1024x2048xbf16>, vector<4x1024xf32> -> vector<4x1024xf32>
    %mul3A = arith.mulf %get3A_6, %get3A_6 : vector<1024x2048xf32>
    %reduce_sum3A = arith.constant dense<0.000000e+00> : vector<1024xf32>
    %reduce_sum3A_9 = vector.multi_reduction <add>, %mul3A, %reduce_sum3A [1] : vector<1024x2048xf32> to vector<1024xf32>
    %mul3A_10 = arith.mulf %get3A_3, %get3A_3 : vector<4x2048xf32>
    %reduce_sum3A_11 = arith.constant dense<0.000000e+00> : vector<4xf32>
    %reduce_sum3A_12 = vector.multi_reduction <add>, %mul3A_10, %reduce_sum3A_11 [1] : vector<4x2048xf32> to vector<4xf32>
    %broadcast_in_dim3A = vector.shape_cast %reduce_sum3A_12 : vector<4xf32> to vector<4x1xf32>
    %broadcast_in_dim3A_13 = vector.shape_cast %reduce_sum3A_9 : vector<1024xf32> to vector<1x1024xf32>
    %add3A = vector.broadcast %broadcast_in_dim3A : vector<4x1xf32> to vector<4x1024xf32>
    %add3A_14 = vector.broadcast %broadcast_in_dim3A_13 : vector<1x1024xf32> to vector<4x1024xf32>
    %add3A_15 = arith.addf %add3A, %add3A_14 : vector<4x1024xf32>
    %mul3A_16 = arith.constant 2.000000e+00 : f32
    %mul3A_17 = vector.broadcast %mul3A_16 : f32 to vector<4x1024xf32>
    %mul3A_18 = arith.mulf %mul3A_17, %dot_general3A_8 : vector<4x1024xf32>
    %sub3A = arith.subf %add3A_15, %mul3A_18 : vector<4x1024xf32>
    %eq3A = arith.constant 0 : i32
    %eq3A_19 = arith.cmpi eq, %arg0, %eq3A : i32
    %convert_element_type3A_20 = arith.extui %eq3A_19 : i1 to i32
    %cond3A = arith.constant 0 : i32
    %cond3A_21 = arith.cmpi ne, %convert_element_type3A_20, %cond3A : i32
    scf.if %cond3A_21 {
      %swap3A = arith.constant 0 : index
      %swap3A_31 = arith.constant 0 : index
      %swap3A_32 = vector.load %arg5[%swap3A, %swap3A_31] : memref<4x1024xf32, #tpu.memory_space<vmem>>, vector<4x1024xf32>
      tpu.vector_store %arg5[%swap3A, %swap3A_31], %sub3A {strides = array<i32>} : memref<4x1024xf32, #tpu.memory_space<vmem>>, vector<4x1024xf32>,
      %broadcast_in_dim3A_33 = arith.constant 0 : i32
      %broadcast_in_dim3A_34 = vector.broadcast %broadcast_in_dim3A_33 : i32 to vector<4x1024xi32>
      %swap3A_35 = arith.constant 0 : index
      %swap3A_36 = arith.constant 0 : index
      %swap3A_37 = vector.load %arg6[%swap3A_35, %swap3A_36] : memref<4x1024xi32, #tpu.memory_space<vmem>>, vector<4x1024xi32>
      tpu.vector_store %arg6[%swap3A_35, %swap3A_36], %broadcast_in_dim3A_34 {strides = array<i32>} : memref<4x1024xi32, #tpu.memory_space<vmem>>, vector<4x1024xi32>,
    } else {
    }
    %gt3A = arith.constant 0 : i32
    %gt3A_22 = arith.cmpi sgt, %arg0, %gt3A : i32
    %convert_element_type3A_23 = arith.extui %gt3A_22 : i1 to i32
    %cond3A_24 = arith.constant 0 : i32
    %cond3A_25 = arith.cmpi ne, %convert_element_type3A_23, %cond3A_24 : i32
    scf.if %cond3A_25 {
      %get3A_31 = arith.constant 0 : index
      %get3A_32 = arith.constant 0 : index
      %get3A_33 = vector.load %arg5[%get3A_31, %get3A_32] : memref<4x1024xf32, #tpu.memory_space<vmem>>, vector<4x1024xf32>
      %lt3A = arith.cmpf olt, %sub3A, %get3A_33 : vector<4x1024xf32>
      %get3A_34 = arith.constant 0 : index
      %get3A_35 = arith.constant 0 : index
      %get3A_36 = vector.load %arg5[%get3A_34, %get3A_35] : memref<4x1024xf32, #tpu.memory_space<vmem>>, vector<4x1024xf32>
      %select_n3A = arith.select %lt3A, %sub3A, %get3A_36 : vector<4x1024xi1>, vector<4x1024xf32>
      %swap3A = arith.constant 0 : index
      %swap3A_37 = arith.constant 0 : index
      %swap3A_38 = vector.load %arg5[%swap3A, %swap3A_37] : memref<4x1024xf32, #tpu.memory_space<vmem>>, vector<4x1024xf32>
      tpu.vector_store %arg5[%swap3A, %swap3A_37], %select_n3A {strides = array<i32>} : memref<4x1024xf32, #tpu.memory_space<vmem>>, vector<4x1024xf32>,
      %get3A_39 = arith.constant 0 : index
      %get3A_40 = arith.constant 0 : index
      %get3A_41 = vector.load %arg6[%get3A_39, %get3A_40] : memref<4x1024xi32, #tpu.memory_space<vmem>>, vector<4x1024xi32>
      %broadcast_in_dim3A_42 = vector.broadcast %arg0 : i32 to vector<4x1024xi32>
      %select_n3A_43 = arith.select %lt3A, %broadcast_in_dim3A_42, %get3A_41 : vector<4x1024xi1>, vector<4x1024xi32>
      %swap3A_44 = arith.constant 0 : index
      %swap3A_45 = arith.constant 0 : index
      %swap3A_46 = vector.load %arg6[%swap3A_44, %swap3A_45] : memref<4x1024xi32, #tpu.memory_space<vmem>>, vector<4x1024xi32>
      tpu.vector_store %arg6[%swap3A_44, %swap3A_45], %select_n3A_43 {strides = array<i32>} : memref<4x1024xi32, #tpu.memory_space<vmem>>, vector<4x1024xi32>,
    } else {
    }
    %eq3A_26 = arith.constant 3 : i32
    %eq3A_27 = arith.cmpi eq, %arg0, %eq3A_26 : i32
    %convert_element_type3A_28 = arith.extui %eq3A_27 : i1 to i32
    %cond3A_29 = arith.constant 0 : i32
    %cond3A_30 = arith.cmpi ne, %convert_element_type3A_28, %cond3A_29 : i32
    scf.if %cond3A_30 {
      %get3A_31 = arith.constant 0 : index
      %get3A_32 = arith.constant 0 : index
      %get3A_33 = vector.load %arg5[%get3A_31, %get3A_32] : memref<4x1024xf32, #tpu.memory_space<vmem>>, vector<4x1024xf32>
      %reduce_min3A = arith.constant dense<0x7F800000> : vector<4xf32>
      %reduce_min3A_34 = vector.multi_reduction <minimumf>, %get3A_33, %reduce_min3A [1] : vector<4x1024xf32> to vector<4xf32>
      %broadcast_in_dim3A_35 = vector.shape_cast %reduce_min3A_34 : vector<4xf32> to vector<4x1xf32>
      %iota3A = tpu.iota {dimensions = array<i32: 1>} : vector<4x1024xi32>
      %get3A_36 = arith.constant 0 : index
      %get3A_37 = arith.constant 0 : index
      %get3A_38 = vector.load %arg6[%get3A_36, %get3A_37] : memref<4x1024xi32, #tpu.memory_space<vmem>>, vector<4x1024xi32>
      %mul3A_39 = arith.constant 1024 : i32
      %mul3A_40 = vector.broadcast %mul3A_39 : i32 to vector<4x1024xi32>
      %mul3A_41 = arith.muli %get3A_38, %mul3A_40 : vector<4x1024xi32>
      %add3A_42 = arith.addi %mul3A_41, %iota3A : vector<4x1024xi32>
      %eq3A_43 = vector.broadcast %broadcast_in_dim3A_35 : vector<4x1xf32> to vector<4x1024xf32>
      %eq3A_44 = arith.cmpf oeq, %get3A_33, %eq3A_43 : vector<4x1024xf32>
      %jit3A = arith.constant 2147483647 : i32
      %broadcast_in_dim3A_45 = vector.broadcast %jit3A : i32 to vector<4x1024xi32>
      %select_n3A = arith.select %eq3A_44, %add3A_42, %broadcast_in_dim3A_45 : vector<4x1024xi1>, vector<4x1024xi32>
      %reduce_min3A_46 = arith.constant dense<2147483647> : vector<4xi32>
      %reduce_min3A_47 = vector.multi_reduction <minsi>, %select_n3A, %reduce_min3A_46 [1] : vector<4x1024xi32> to vector<4xi32>
      %broadcast_in_dim3A_48 = vector.shape_cast %reduce_min3A_47 : vector<4xi32> to vector<4x1xi32>
      %broadcast_in_dim3A_49 = vector.shape_cast %broadcast_in_dim3A_35 : vector<4x1xf32> to vector<4x1xf32>
      %broadcast_in_dim3A_50 = vector.broadcast %broadcast_in_dim3A_49 : vector<4x1xf32> to vector<4x128xf32>
      %swap3A = arith.constant 0 : index
      %swap3A_51 = arith.constant 0 : index
      %swap3A_52 = vector.load %arg3[%swap3A, %swap3A_51] : memref<4x128xf32, #tpu.memory_space<vmem>>, vector<4x128xf32>
      tpu.vector_store %arg3[%swap3A, %swap3A_51], %broadcast_in_dim3A_50 {strides = array<i32>} : memref<4x128xf32, #tpu.memory_space<vmem>>, vector<4x128xf32>,
      %broadcast_in_dim3A_53 = vector.shape_cast %broadcast_in_dim3A_48 : vector<4x1xi32> to vector<4x1xi32>
      %broadcast_in_dim3A_54 = vector.broadcast %broadcast_in_dim3A_53 : vector<4x1xi32> to vector<4x128xi32>
      %swap3A_55 = arith.constant 0 : index
      %swap3A_56 = arith.constant 0 : index
      %swap3A_57 = vector.load %arg4[%swap3A_55, %swap3A_56] : memref<4x128xi32, #tpu.memory_space<vmem>>, vector<4x128xi32>
      tpu.vector_store %arg4[%swap3A_55, %swap3A_56], %broadcast_in_dim3A_54 {strides = array<i32>} : memref<4x128xi32, #tpu.memory_space<vmem>>, vector<4x128xi32>,
    } else {
    }
    return
  }
  func.func @transform_0(%arg0: i32) -> (i32, i32, i32) {
    %c0_i32 = arith.constant 0 : i32
    %c0_i32_0 = arith.constant 0 : i32
    %c0_i32_1 = arith.constant 0 : i32
    %c0_i32_2 = arith.constant 0 : i32
    return %c0_i32, %c0_i32_0, %c0_i32_1 : i32, i32, i32
  }
  func.func @transform_1(%arg0: i32) -> (i32, i32) {
    %c0_i32 = arith.constant 0 : i32
    %c0_i32_0 = arith.constant 0 : i32
    return %arg0, %c0_i32 : i32, i32
  }
  func.func @transform_2(%arg0: i32) -> (i32, i32) {
    %c0_i32 = arith.constant 0 : i32
    %c0_i32_0 = arith.constant 0 : i32
    %c0_i32_1 = arith.constant 0 : i32
    return %c0_i32, %c0_i32_0 : i32, i32
  }
  func.func @transform_3(%arg0: i32) -> (i32, i32) {
    %c0_i32 = arith.constant 0 : i32
    %c0_i32_0 = arith.constant 0 : i32
    %c0_i32_1 = arith.constant 0 : i32
    return %c0_i32, %c0_i32_0 : i32, i32
  }
}

module attributes {stable_mosaic.version = 14 : i64} {
  func.func @_linear_body(%arg0: i32, %arg1: i32, %arg2: memref<16xi32, #tpu.memory_space<smem>>, %arg3: memref<1x512x2048xf32, #tpu.memory_space<vmem>>, %arg4: memref<2048x2048xf32, #tpu.memory_space<vmem>>, %arg5: memref<1x2048xf32, #tpu.memory_space<vmem>>, %arg6: memref<1x1x2048xf32, #tpu.memory_space<vmem>>, %arg7: memref<1x512x2048xf32, #tpu.memory_space<vmem>>, %arg8: memref<2048x2048xbf16, #tpu.memory_space<vmem>>) attributes {dimension_semantics = [#tpu.dimension_semantics<arbitrary>, #tpu.dimension_semantics<arbitrary>], iteration_bounds = array<i64: 4, 4>, scalar_prefetch = 1 : i64, scratch_operands = 1 : i64, tpu.core_type = #tpu.core_type<tc>, window_params = [{transform_indices = @transform_0, window_bounds = array<i64: 1, 512, 2048>}, {pipeline_mode = #tpu.pipeline_mode<synchronous>, transform_indices = @transform_1, window_bounds = array<i64: 2048, 2048>}, {pipeline_mode = #tpu.pipeline_mode<synchronous>, transform_indices = @transform_2, window_bounds = array<i64: 1, 2048>}, {transform_indices = @transform_3, window_bounds = array<i64: 1, 1, 2048>}, {transform_indices = @transform_4, window_bounds = array<i64: 1, 512, 2048>}]} {
    %get3A = arith.index_cast %arg0 : i32 to index
    %get3A_0 = memref.load %arg2[%get3A] : memref<16xi32, #tpu.memory_space<smem>>
    %eq3A = arith.constant 0 : i32
    %eq3A_1 = arith.cmpi eq, %arg0, %eq3A : i32
    %eq3A_2 = arith.constant 0 : i32
    %eq3A_3 = arith.cmpi eq, %arg1, %eq3A_2 : i32
    %and3A = arith.andi %eq3A_1, %eq3A_3 : i1
    %convert_element_type3A = arith.extui %and3A : i1 to i32
    %cond3A = arith.constant 0 : i32
    %cond3A_4 = arith.cmpi ne, %convert_element_type3A, %cond3A : i32
    scf.if %cond3A_4 {
      %get3A_14 = arith.constant 0 : index
      %get3A_15 = arith.constant 0 : index
      %get3A_16 = vector.load %arg4[%get3A_14, %get3A_15] : memref<2048x2048xf32, #tpu.memory_space<vmem>>, vector<2048x2048xf32>
      %convert_element_type3A_17 = arith.truncf %get3A_16 : vector<2048x2048xf32> to vector<2048x2048xbf16>
      %swap3A = arith.constant 0 : index
      %swap3A_18 = arith.constant 0 : index
      %swap3A_19 = vector.load %arg8[%swap3A, %swap3A_18] : memref<2048x2048xbf16, #tpu.memory_space<vmem>>, vector<2048x2048xbf16>
      tpu.vector_store %arg8[%swap3A, %swap3A_18], %convert_element_type3A_17 {strides = array<i32>} : memref<2048x2048xbf16, #tpu.memory_space<vmem>>, vector<2048x2048xbf16>,
    } else {
    }
    %eq3A_5 = arith.constant 0 : i32
    %eq3A_6 = arith.cmpi eq, %get3A_0, %eq3A_5 : i32
    %convert_element_type3A_7 = arith.extui %eq3A_6 : i1 to i32
    %cond3A_8 = arith.constant 0 : i32
    %cond3A_9 = arith.cmpi ne, %convert_element_type3A_7, %cond3A_8 : i32
    scf.if %cond3A_9 {
      %get3A_14 = arith.constant 0 : index
      %get3A_15 = arith.constant 0 : index
      %get3A_16 = arith.constant 0 : index
      %get3A_17 = vector.load %arg3[%get3A_14, %get3A_15, %get3A_16] : memref<1x512x2048xf32, #tpu.memory_space<vmem>>, vector<1x512x2048xf32>
      %get3A_18 = vector.shape_cast %get3A_17 : vector<1x512x2048xf32> to vector<512x2048xf32>
      %convert_element_type3A_19 = arith.truncf %get3A_18 : vector<512x2048xf32> to vector<512x2048xbf16>
      %get3A_20 = arith.constant 0 : index
      %get3A_21 = arith.constant 0 : index
      %get3A_22 = vector.load %arg8[%get3A_20, %get3A_21] : memref<2048x2048xbf16, #tpu.memory_space<vmem>>, vector<2048x2048xbf16>
      %dot_general3A = arith.constant dense<0.000000e+00> : vector<512x2048xf32>
      %dot_general3A_23 = tpu.matmul %convert_element_type3A_19, %get3A_22, %dot_general3A {dimension_numbers = #tpu.dot_dimension_numbers<[1], [1], [0], [0], [0, 0, 1, 0], [], []>, transpose_lhs_hint = false} : vector<512x2048xbf16>, vector<2048x2048xbf16>, vector<512x2048xf32> -> vector<512x2048xf32>
      %get3A_24 = arith.constant 0 : index
      %get3A_25 = arith.constant 0 : index
      %get3A_26 = vector.load %arg5[%get3A_24, %get3A_25] : memref<1x2048xf32, #tpu.memory_space<vmem>>, vector<1x2048xf32>
      %add3A = vector.broadcast %get3A_26 : vector<1x2048xf32> to vector<512x2048xf32>
      %add3A_27 = arith.addf %dot_general3A_23, %add3A : vector<512x2048xf32>
      %swap3A = arith.constant 0 : index
      %swap3A_28 = arith.constant 0 : index
      %swap3A_29 = arith.constant 0 : index
      %swap3A_30 = vector.load %arg7[%swap3A, %swap3A_28, %swap3A_29] : memref<1x512x2048xf32, #tpu.memory_space<vmem>>, vector<1x512x2048xf32>
      %swap3A_31 = vector.shape_cast %swap3A_30 : vector<1x512x2048xf32> to vector<512x2048xf32>
      %swap3A_32 = vector.shape_cast %add3A_27 : vector<512x2048xf32> to vector<1x512x2048xf32>
      tpu.vector_store %arg7[%swap3A, %swap3A_28, %swap3A_29], %swap3A_32 {strides = array<i32>} : memref<1x512x2048xf32, #tpu.memory_space<vmem>>, vector<1x512x2048xf32>,
    } else {
    }
    %ne3A = arith.constant 0 : i32
    %ne3A_10 = arith.cmpi ne, %get3A_0, %ne3A : i32
    %convert_element_type3A_11 = arith.extui %ne3A_10 : i1 to i32
    %cond3A_12 = arith.constant 0 : i32
    %cond3A_13 = arith.cmpi ne, %convert_element_type3A_11, %cond3A_12 : i32
    scf.if %cond3A_13 {
      %get3A_14 = arith.constant 0 : index
      %get3A_15 = arith.constant 0 : index
      %get3A_16 = arith.constant 0 : index
      %get3A_17 = vector.load %arg6[%get3A_14, %get3A_15, %get3A_16] : memref<1x1x2048xf32, #tpu.memory_space<vmem>>, vector<1x1x2048xf32>
      %get3A_18 = vector.shape_cast %get3A_17 : vector<1x1x2048xf32> to vector<1x2048xf32>
      %broadcast_in_dim3A = vector.shape_cast %get3A_18 : vector<1x2048xf32> to vector<1x2048xf32>
      %broadcast_in_dim3A_19 = vector.broadcast %broadcast_in_dim3A : vector<1x2048xf32> to vector<512x2048xf32>
      %swap3A = arith.constant 0 : index
      %swap3A_20 = arith.constant 0 : index
      %swap3A_21 = arith.constant 0 : index
      %swap3A_22 = vector.load %arg7[%swap3A, %swap3A_20, %swap3A_21] : memref<1x512x2048xf32, #tpu.memory_space<vmem>>, vector<1x512x2048xf32>
      %swap3A_23 = vector.shape_cast %swap3A_22 : vector<1x512x2048xf32> to vector<512x2048xf32>
      %swap3A_24 = vector.shape_cast %broadcast_in_dim3A_19 : vector<512x2048xf32> to vector<1x512x2048xf32>
      tpu.vector_store %arg7[%swap3A, %swap3A_20, %swap3A_21], %swap3A_24 {strides = array<i32>} : memref<1x512x2048xf32, #tpu.memory_space<vmem>>, vector<1x512x2048xf32>,
    } else {
    }
    return
  }
  func.func @transform_0(%arg0: i32, %arg1: i32, %arg2: memref<16xi32, #tpu.memory_space<smem>>) -> (i32, i32, i32) {
    %get3A = arith.index_cast %arg0 : i32 to index
    %get3A_0 = memref.load %arg2[%get3A] : memref<16xi32, #tpu.memory_space<smem>>
    %eq3A = arith.constant 0 : i32
    %eq3A_1 = arith.cmpi eq, %get3A_0, %eq3A : i32
    %jit3A = arith.constant 0 : i32
    %select_n3A = arith.select %eq3A_1, %arg1, %jit3A : i32
    %c0_i32 = arith.constant 0 : i32
    %c0_i32_2 = arith.constant 0 : i32
    return %arg0, %select_n3A, %c0_i32 : i32, i32, i32
  }
  func.func @transform_1(%arg0: i32, %arg1: i32, %arg2: memref<16xi32, #tpu.memory_space<smem>>) -> (i32, i32) {
    %c0_i32 = arith.constant 0 : i32
    %c0_i32_0 = arith.constant 0 : i32
    %c0_i32_1 = arith.constant 0 : i32
    return %c0_i32, %c0_i32_0 : i32, i32
  }
  func.func @transform_2(%arg0: i32, %arg1: i32, %arg2: memref<16xi32, #tpu.memory_space<smem>>) -> (i32, i32) {
    %c0_i32 = arith.constant 0 : i32
    %c0_i32_0 = arith.constant 0 : i32
    %c0_i32_1 = arith.constant 0 : i32
    return %c0_i32, %c0_i32_0 : i32, i32
  }
  func.func @transform_3(%arg0: i32, %arg1: i32, %arg2: memref<16xi32, #tpu.memory_space<smem>>) -> (i32, i32, i32) {
    %c0_i32 = arith.constant 0 : i32
    %c0_i32_0 = arith.constant 0 : i32
    %c0_i32_1 = arith.constant 0 : i32
    return %arg0, %c0_i32, %c0_i32_0 : i32, i32, i32
  }
  func.func @transform_4(%arg0: i32, %arg1: i32, %arg2: memref<16xi32, #tpu.memory_space<smem>>) -> (i32, i32, i32) {
    %c0_i32 = arith.constant 0 : i32
    %c0_i32_0 = arith.constant 0 : i32
    return %arg0, %arg1, %c0_i32 : i32, i32, i32
  }
}

</mosaic_0001>

<sc_bundles>
// kernel: kernel.5.cloned.1.call-start
scs
__scs_entry_jumppad:
0x0: {  	(pc) =	sbr.rel $0x88, $3  }
0x1: {  	(tag) =	ssettag $0x0;
	lr =	simm.s32 $0x1  }
0x2: {  	[smem:$0x3F9B] =	sst lr;
	_ =	strace $0xD0000000  }
0x3: {  	_ = 	snop  }
0x4: {  	_ = 	snop  }
0x5: {  	_ = 	snop  }
0x6: {  	_ = 	snop  }
0x7: {  	_ = 	snop  }
__scs_overlays_trampoline_lowered:
0x8: {  	[smem:$0x3FAA] =	sst s0  }
0x9: {  	[smem:$0x3FAB] =	sst s1  }
0xa: {  	[smem:$0x3FAC] =	sst s2  }
0xb: {  	[smem:$0x3FAD] =	sst s3  }
0xc: {  	[smem:$0x3FAE] =	sst s4  }
0xd: {  	[smem:$0x3FAF] =	sst s5  }
0xe: {  	[smem:$0x3FB0] =	sst s6  }
0xf: {  	[smem:$0x3FB1] =	sst s7  }
0x10: {  	[smem:$0x3FB2] =	sst s8  }
0x11: {  	[smem:$0x3FB3] =	sst s9;
	s0 =	simm.s32 @!p0 $0x0  }
0x12: {  	s1 =	sld [smem:$0x3F99];
	s0 =	simm.s32 @p0 $0x1  }
0x13: {  	[smem:$0x3FB4] =	sst s0;
	s0 =	simm.s32 @!p1 $0x0  }
0x14: {  	s2 =	sld [smem:$0x3F98];
	s0 =	simm.s32 @p1 $0x1  }
0x15: {  	[smem:$0x3FB5] =	sst s0;
	s0 =	simm.s32 @!p2 $0x0  }
0x16: {  	s3 =	sld [smem:$0x3FDB];
	s0 =	simm.s32 @p2 $0x1  }
0x17: {  	s4 =	simm.s32 $0x1BF5;
	[smem:$0x3FB7] =	sst s0  }
0x18: {  	s0 =	sld [smem:$0x3F9A];
	_ =	swait.ge [sflag:s4], $0x0  }
0x19: {  	s7 =	sld [smem:$0x3F9B]  }
0x1a: {  	s8 =	sadd.s32 $0xFFFFE003, lr  }
0x1b: {  	s9 =	sadd.s32 $0xFFFFFEF7, lr;
	s5 =	simm.s32 $0xFFFFFFFF;
	p2 =	slt.u32 s8, $0xFFFFF086  }
0x1c: {  	p1 =	slt.u32 s9, $0xF7A;
	s5 =	simm.s32 @!p2 $0x0  }
0x1d: {  	s5 =	simm.s32 @p1 $0x1;
	p0 =	seq.s32 s7, s2  }
0x1e: {  	s7 =	smul.u32 @!p0 $0xF7A, s2;
	p2 =	seq.s32 @!p0 s5, $0x0  }
0x1f: {  	s9 =	smul.u32 $0xF7A, s1;
	s8 =	simm.s32 @!p0 $0x1BF5;
	p2 =	por !p2, p0  }
0x20: {  	[sflag:s8] =	ssyncset.s32 @!p0 $0xFFFFF086;
	s6 =	sadd.s32 @!p0 s3, s7;
	s7 =	simm.s32 @!p0 $0x108  }
0x21: {  	s3 =	sadd.s32 s3, s9;
	s6 =	sadd.s32 @!p0 $0x88, s6;
	s7 =	simm.s32 @p2 $0x1082  }
0x22: {  	[simem:s7], [sflag:s8] =	dma.local @!p0 [hbm:s6], $0xF7A  }
0x23: {  	s9 =	sor.u32 $0xD0000000, s2;
	s6 =	simm.s32 $0x108;
	_ =	swait.ge @!p0 [sflag:s8], $0x0  }
0x24: {  	s3 =	sadd.s32 $0x88, s3;
	s6 =	simm.s32 @!p1 $0x1082;
	[sflag:s4] =	ssyncset.s32 $0xFFFFF086  }
0x25: {  	[simem:s6], [sflag:s4] =	dma.local [hbm:s3], $0xF7A  }
0x26: {  	[smem:$0x3F9B] =	sst s1;
	(tag) =	ssettag s2;
	_ =	strace s9  }
0x27: {  	s1 =	sld [smem:$0x3FAB]  }
0x28: {  	s2 =	sld [smem:$0x3FAC]  }
0x29: {  	s4 =	sld [smem:$0x3FAE]  }
0x2a: {  	p0 =	seq.s32 s5, $0x0;
	s5 =	sld [smem:$0x3FAF]  }
0x2b: {  	s6 =	sld [smem:$0x3FB0]  }
0x2c: {  	s7 =	sld [smem:$0x3FB1]  }
0x2d: {  	s3 =	simm.s32 $0x108;
	s8 =	sld [smem:$0x3FB2]  }
0x2e: {  	s3 =	simm.s32 @!p0 $0x1082;
	s9 =	sld [smem:$0x3FB3]  }
0x2f: {  	lr =	sadd.s32 s0, s3;
	s0 =	sld [smem:$0x3FAA]  }
0x30: {  	s3 =	sld [smem:$0x3FAD]  }
0x31: {  	[smem:$0x3FB6] =	sst s10  }
0x32: {  	s10 =	sld [smem:$0x3FB4];
	_ =	sdelay $0x3  }
0x33: {  	p0 =	seq.s32 s10, $0x1;
	s10 =	sld [smem:$0x3FB6];
	_ =	sdelay $0x3  }
0x34: {  	[smem:$0x3FB6] =	sst s10  }
0x35: {  	s10 =	sld [smem:$0x3FB5];
	_ =	sdelay $0x3  }
0x36: {  	p1 =	seq.s32 s10, $0x1;
	s10 =	sld [smem:$0x3FB6];
	_ =	sdelay $0x3  }
0x37: {  	[smem:$0x3FB6] =	sst s10  }
0x38: {  	s10 =	sld [smem:$0x3FB7]  }
0x39: {  	_ = 	snop;
	(pc) =	sbr.ind lr, $3  }
0x3a: {  	_ = 	snop  }
0x3b: {  	_ = 	snop  }
0x3c: {  	p2 =	seq.s32 s10, $0x1;
	s10 =	sld [smem:$0x3FB6]  }
0x3d: {  	_ =	shalt  }
0x3e: {  	_ =	shalt  }
0x3f: {  	_ =	shalt  }
0x40: {  	_ =	shalt  }
0x41: {  	_ =	shalt  }
0x42: {  	_ =	shalt  }
0x43: {  	_ =	shalt  }
0x44: {  	_ =	shalt  }
0x45: {  	_ =	shalt  }
0x46: {  	_ =	shalt  }
0x47: {  	_ =	shalt  }
0x48: {  	_ =	shalt  }
0x49: {  	_ =	shalt  }
0x4a: {  	_ =	shalt  }
0x4b: {  	_ =	shalt  }
0x4c: {  	_ =	shalt  }
0x4d: {  	_ =	shalt  }
0x4e: {  	_ =	shalt  }
0x4f: {  	_ =	shalt  }
0x50: {  	_ =	shalt  }
0x51: {  	_ =	shalt  }
0x52: {  	_ =	shalt  }
0x53: {  	_ =	shalt  }
0x54: {  	_ =	shalt  }
0x55: {  	_ =	shalt  }
0x56: {  	_ =	shalt  }
0x57: {  	_ =	shalt  }
0x58: {  	_ =	shalt  }
0x59: {  	_ =	shalt  }
0x5a: {  	_ =	shalt  }
0x5b: {  	_ =	shalt  }
0x5c: {  	_ =	shalt  }
0x5d: {  	_ =	shalt  }
0x5e: {  	_ =	shalt  }
0x5f: {  	_ =	shalt  }
0x60: {  	_ =	shalt  }
0x61: {  	_ =	shalt  }
0x62: {  	_ =	shalt  }
0x63: {  	_ =	shalt  }
0x64: {  	_ =	shalt  }
0x65: {  	_ =	shalt  }
0x66: {  	_ =	shalt  }
0x67: {  	_ =	shalt  }
0x68: {  	_ =	shalt  }
0x69: {  	_ =	shalt  }
0x6a: {  	_ =	shalt  }
0x6b: {  	_ =	shalt  }
0x6c: {  	_ =	shalt  }
0x6d: {  	_ =	shalt  }
0x6e: {  	_ =	shalt  }
0x6f: {  	_ =	shalt  }
0x70: {  	_ =	shalt  }
0x71: {  	_ =	shalt  }
0x72: {  	_ =	shalt  }
0x73: {  	_ =	shalt  }
0x74: {  	_ =	shalt  }
0x75: {  	_ =	shalt  }
0x76: {  	_ =	shalt  }
0x77: {  	_ =	shalt  }
0x78: {  	_ =	shalt  }
0x79: {  	_ =	shalt  }
0x7a: {  	_ =	shalt  }
0x7b: {  	_ =	shalt  }
0x7c: {  	_ =	shalt  }
0x7d: {  	_ =	shalt  }
0x7e: {  	_ =	shalt  }
0x7f: {  	_ =	shalt  }
0x80: {  	_ =	shalt  }
0x81: {  	_ =	shalt  }
0x82: {  	_ =	shalt  }
0x83: {  	_ =	shalt  }
0x84: {  	_ =	shalt  }
0x85: {  	_ =	shalt  }
0x86: {  	_ =	shalt  }
0x87: {  	_ =	shalt  }
.Lfunc_end0:
.L_simem_size_0:
called_computation_lowered:
.L_overlay_start_0:
0x88: {  	s0 =	sld [smem:$0x3FD9]  }
0x89: {  	s1 =	sld [smem:$0x3FFE];
	_ =	sdelay $0x3  }
0x8a: {  	s0 =	sadd.s32 s1, s0  }
0x8b: {  	[smem:$0x3FC2] =	sst s0  }
0x8c: {  	_ = 	snop  }
0x8d: {  	s0 =	sld [smem:$0x3FC5]  }
0x8e: {  	s16 =	sld [smem:$0x3FC4]  }
0x8f: {  	s2 =	sld [smem:$0x3FD0];
	(tm) =	ssettm $0x1  }
0x90: {  	s3 =	sld [smem:$0x3FFB];
	_ =	sdelay $0x3  }
0x91: {  	_ =	strace s3  }
0x92: {  	s3 =	sld [smem:$0x3FFC];
	_ =	sdelay $0x3  }
0x93: {  	_ =	strace s3  }
0x94: {  	s3 =	sld [smem:$0x3FFD];
	_ =	sdelay $0x3  }
0x95: {  	_ =	strace s3  }
0x96: {  	_ =	strace $0x8FFFFFFF  }
0x97: {  	s17 =	sld [smem:$0x3FDB];
	_ =	sdelay $0x1  }
0x98: {  	s4 =	simm.s32 $_scs_section_size  }
0x99: {  	s5 =	simm.s32 $_size__tile_overlayer_lowered;
	s6 =	simm.s32 $_tile_overlayer_lowered  }
0x9a: {  	s20 =	simm.s32 $0x1BFF;
	s19 =	sshll.u32 s6, $0x1;
	s3 =	sadd.s32 s4, s17  }
0x9b: {  	s7 =	simm.s32 $0x0;
	s18 =	sshll.u32 s5, $0x1;
	s5 =	sadd.s32 s19, s3  }
0x9c: {  	[timem:s7], [sflag:s20] =	dma.local [hbm:s5], s18  }
0x9d: {  	_ =	swait.ge [sflag:s20], s18  }
0x9e: {  	s4 =	ssub.s32 $0x0, s18;
	[sflag:s20] =	ssyncset.done $0x0  }
0x9f: {  	[sflag:s20] =	ssyncadd.s32 s4;
	_ =	sdelay $0x1  }
0xa0: {  	s21 =	simm.s32 $0x1B8B  }
0xa1: {  	_ =	swait.ge [sflag:s21], $0x1  }
0xa2: {  	[sflag:s21] =	ssyncset.done $0x0  }
0xa3: {  	s23 =	simm.s32 $0x1B8E;
	s22 =	sld [smem:$0x3FFE];
	[sflag:s21] =	ssyncadd.s32 $0xFFFFFFFF  }
0xa4: {  	s24 =	simm.s32 $execute0_lowered;
	[smem:$0x3FD2] =	sst s23  }
0xa5: {  	s5 =	sshll.u32 s24, $0x1;
	_ =	strace $0x80000046;
	[dreg:$0x1] =	wrdreg $0xFFFFFFFF  }
0xa6: {  	s25 =	simm.s32 $_size_execute0_lowered;
	s3 =	sadd.s32 s3, s5;
	[dreg:$0x0] =	wrdreg $0x0  }
0xa7: {  	s5 =	sshll.u32 s25, $0x1;
	[dreg:$0x2] =	wrdreg s3  }
0xa8: {  	[dreg:$0x3] =	wrdreg s5  }
0xa9: {  	[dreg:$0x4] =	wrdreg $0xC0  }
0xaa: {  	_ =	task [dreg:s7], $0x5FFFF  }
0xab: {  	[dreg:$0x1] =	wrdreg $0xFFFFFFFF  }
0xac: {  	[dreg:$0x0] =	wrdreg $0x60  }
0xad: {  	[dreg:$0x2] =	wrdreg s0  }
0xae: {  	[dreg:$0x3] =	wrdreg s16  }
0xaf: {  	[dreg:$0x4] =	wrdreg s22  }
0xb0: {  	[dreg:$0x5] =	wrdreg s2  }
0xb1: {  	[dreg:$0x6] =	wrdreg $0x9  }
0xb2: {  	_ =	task.clear_ibuf [dreg:s7], $0x7FFFF;
	_ =	strace $0x90000046  }
0xb3: {  	s26 =	simm.s32 $0x9;
	_ =	strace $0x80000048  }
0xb4: {  	_ =	swait.ge [sflag:s26], $0x1  }
0xb5: {  	[sflag:s26] =	ssyncadd.s32 $0xFFFFFFFF  }
0xb6: {  	_ =	strace $0x90000048  }
0xb7: {  	_ =	sfence  }
0xb8: {  	s28 =	sld [smem:$0x0];
	_ =	sdelay $0x1  }
0xb9: {  	s29 =	srdreg.scid  }
0xba: {  	s30 =	sshll.u32 s29, $0xD;
	s31 =	sshrl.u32 s29, $0x2  }
0xbb: {  	s1 =	sand.u32 $0x1, s29;
	s2 =	sand.u32 $0x4000, s30;
	s0 =	sadd.s32 s31, s28  }
0xbc: {  	s1 =	sor.u32 s2, s1;
	s0 =	sshll.u32 s0, $0x11  }
0xbd: {  	s0 =	sor.u32 s0, s1  }
0xbe: {  	s0 =	sadd.s32 $0x8F2B, s0  }
0xbf: {  	[sflag:s0] =	ssyncadd.remote.s32 $0x1  }
0xc0: {  	_ =	sfence.sel $0xFFFF  }
0xc1: {  	[dreg:$0x0] =	wrdreg $0xFFFFFFFF;
	(pc) =	sbr.abs _section_cstart, $3  }
0xc2: {  	[dreg:$0x1] =	wrdreg $0xFFFFFFFF  }
0xc3: {  	_ =	task.clear_ibuf [dreg:s7], $0x2FFFF;
	_ =	strace $0x9FFFFFFF  }
0xc4: {  	(tm) =	ssettm $0x7FFFFFFF  }
0xc5: {  	_ =	shalt  }
tec
execute0_lowered:
.L_overlay_start_1:
0x0: {  	(tag) =	ssettag $0x1  }
0x1: {  	s3 =	stileid.u32  }
0x2: {  	p0 =	sne.s32 s3, $0x0  }
.Ltmp0:
0x3: {  	s6 =	rddreg [dreg:$0x0];
	(pc) =	sbr.rel @p0 .LBB2_2-.Ltmp0, $4  }
0x4: {  	s7 =	rddreg [dreg:$0x1]  }
0x5: {  	s2 =	rddreg [dreg:$0x2]  }
0x6: {  	s1 =	rddreg [dreg:$0x3]  }
0x7: {  	s0 =	rddreg [dreg:$0x4];
	_ =	strace $0x80000047  }
0x8: {  	s4 =	sadd.s32 $0x1000, s2;
	s3 =	simm.s32 $0x0  }
0x9: {  	v0 =	vimm.s32 $0x180;
	vm0 =	vcmask $0x300;
	[tilespmem:s3], [sflag:$0x1] =	stream.linear.gather [hbm4b:s4+s3], $0x200, $0x38;
	[tilespmem:$0x9500] =	vst v63  }
0xa: {  	s5 =	sadd.s32 $0xE00, s2;
	vm12 =	vcmask $0x704;
	s4 =	simm.s32 $0x200;
	v0 =	vsel vm0, $0x0, v0  }
0xb: {  	vm13 =	vcmask $0xB08;
	v0 =	vsel vm12, $0x80, v0;
	[tilespmem:s4], [sflag:$0x2] =	stream.linear.gather [hbm4b:s5+s3], $0x200, $0x38;
	[tilespmem:$0x9500] =	vst v63  }
0xc: {  	s24 =	simm.s32 $0x1;
	s5 =	simm.s32 $0x400;
	v0 =	vsel vm13, $0x100, v0  }
0xd: {  	[tilespmem:s5], [sflag:$0x3] =	stream.linear.gather [hbm4b:s7+s3], $0x1000, $0x38;
	[tilespmem:$0x9500] =	vst v63  }
0xe: {  	_ =	swait.ge [sflag:s24], $0x200  }
0xf: {  	[sflag:s24] =	ssyncset.done $0x0  }
0x10: {  	[sflag:s24] =	ssyncadd.s32 $0xFFFFFE00  }
0x11: {  	v1 =	vld.idx.msk [tilespmem:v0+s3+$0x0], $0xffff;
	_ =	sdelay $0x4  }
0x12: {  	v2 =	vshll.u32 v1, $0x4  }
0x13: {  	v4 =	vlaneseq.u32;
	v3 =	vand.u32 $0x7, v1;
	v2 =	vand.u32 $0xFFFFFF80, v2  }
0x14: {  	v62 =	vand.u32 $0x7, v4;
	v5 =	vshrl.u32 v4, $0x3;
	v2 =	vor.u32 v3, v2  }
0x15: {  	v5 =	vmul.u32 $0x8, v5;
	v3 =	vperm.xlane v2, v62;
	_ =	sdelay $0x1  }
0x16: {  	v3 =	vadd.s32 v5, v3;
	_ =	sdelay $0x3  }
0x17: {  	vm14 =	vmmov $0xffff;
	s7 =	simm.s32 $0x1480;
	[tilespmem:$0x1400] =	vst v1  }
0x18: {  	[tilespmem:s7], [sflag:$0x4] =	stream.indirect_vreg.gather [hbm4b:s6+s3], $0x80, v3, vm14, $0xb8;
	[tilespmem:$0x9500] =	vst v63  }
0x19: {  	s8 =	sadd.s32 $0x100, s6;
	s9 =	simm.s32 $0x1C80  }
0x1a: {  	[tilespmem:s9], [sflag:$0x4] =	stream.indirect_vreg.gather [hbm4b:s8+s3], $0x80, v3, vm14, $0xb8;
	[tilespmem:$0x9500] =	vst v63  }
0x1b: {  	s25 =	sadd.s32 $0x200, s6;
	s10 =	simm.s32 $0x2480  }
0x1c: {  	[tilespmem:s10], [sflag:$0x4] =	stream.indirect_vreg.gather [hbm4b:s25+s3], $0x80, v3, vm14, $0xb8;
	[tilespmem:$0x9500] =	vst v63  }
0x1d: {  	s26 =	sadd.s32 $0x300, s6;
	s11 =	simm.s32 $0x2C80  }
0x1e: {  	[tilespmem:s11], [sflag:$0x4] =	stream.indirect_vreg.gather [hbm4b:s26+s3], $0x80, v3, vm14, $0xb8;
	[tilespmem:$0x9500] =	vst v63  }
0x1f: {  	s28 =	sadd.s32 $0x400, s6;
	s12 =	simm.s32 $0x3480  }
0x20: {  	v4 =	vor.u32 $0x8, v4;
	[tilespmem:s12], [sflag:$0x4] =	stream.indirect_vreg.gather [hbm4b:s28+s3], $0x80, v3, vm14, $0xb8;
	[tilespmem:$0x9500] =	vst v63  }
0x21: {  	s29 =	sadd.s32 $0x500, s6;
	s13 =	simm.s32 $0x3C80;
	v2 =	vperm.xlane v2, v4  }
0x22: {  	[tilespmem:s13], [sflag:$0x4] =	stream.indirect_vreg.gather [hbm4b:s29+s3], $0x80, v3, vm14, $0xb8;
	[tilespmem:$0x9500] =	vst v63  }
0x23: {  	s30 =	sadd.s32 $0x600, s6;
	s14 =	simm.s32 $0x4480;
	v2 =	vadd.s32 v5, v2  }
0x24: {  	[tilespmem:s14], [sflag:$0x4] =	stream.indirect_vreg.gather [hbm4b:s30+s3], $0x80, v3, vm14, $0xb8;
	[tilespmem:$0x9500] =	vst v63  }
0x25: {  	s31 =	sadd.s32 $0x700, s6;
	s15 =	simm.s32 $0x4C80  }
0x26: {  	[tilespmem:s15], [sflag:$0x4] =	stream.indirect_vreg.gather [hbm4b:s31+s3], $0x80, v3, vm14, $0xb8;
	[tilespmem:$0x9500] =	vst v63  }
0x27: {  	s16 =	simm.s32 $0x5480  }
0x28: {  	[tilespmem:s16], [sflag:$0x4] =	stream.indirect_vreg.gather [hbm4b:s6+s3], $0x80, v2, vm14, $0xb8;
	[tilespmem:$0x9500] =	vst v63  }
0x29: {  	s17 =	simm.s32 $0x5C80  }
0x2a: {  	[tilespmem:s17], [sflag:$0x4] =	stream.indirect_vreg.gather [hbm4b:s8+s3], $0x80, v2, vm14, $0xb8;
	[tilespmem:$0x9500] =	vst v63  }
0x2b: {  	s18 =	simm.s32 $0x6480  }
0x2c: {  	[tilespmem:s18], [sflag:$0x4] =	stream.indirect_vreg.gather [hbm4b:s25+s3], $0x80, v2, vm14, $0xb8;
	[tilespmem:$0x9500] =	vst v63  }
0x2d: {  	s19 =	simm.s32 $0x6C80  }
0x2e: {  	[tilespmem:s19], [sflag:$0x4] =	stream.indirect_vreg.gather [hbm4b:s26+s3], $0x80, v2, vm14, $0xb8;
	[tilespmem:$0x9500] =	vst v63  }
0x2f: {  	s20 =	simm.s32 $0x7480  }
0x30: {  	[tilespmem:s20], [sflag:$0x4] =	stream.indirect_vreg.gather [hbm4b:s28+s3], $0x80, v2, vm14, $0xb8;
	[tilespmem:$0x9500] =	vst v63  }
0x31: {  	s21 =	simm.s32 $0x7C80  }
0x32: {  	[tilespmem:s21], [sflag:$0x4] =	stream.indirect_vreg.gather [hbm4b:s29+s3], $0x80, v2, vm14, $0xb8;
	[tilespmem:$0x9500] =	vst v63  }
0x33: {  	s22 =	simm.s32 $0x8480  }
0x34: {  	[tilespmem:s22], [sflag:$0x4] =	stream.indirect_vreg.gather [hbm4b:s30+s3], $0x80, v2, vm14, $0xb8;
	[tilespmem:$0x9500] =	vst v63  }
0x35: {  	s23 =	simm.s32 $0x8C80;
	s24 =	simm.s32 $0x2  }
0x36: {  	[tilespmem:s23], [sflag:$0x4] =	stream.indirect_vreg.gather [hbm4b:s31+s3], $0x80, v2, vm14, $0xb8;
	[tilespmem:$0x9500] =	vst v63  }
0x37: {  	_ =	swait.ge [sflag:s24], $0x200  }
0x38: {  	[sflag:s24] =	ssyncset.done $0x0  }
0x39: {  	s25 =	simm.s32 $0x3;
	[sflag:s24] =	ssyncadd.s32 $0xFFFFFE00  }
0x3a: {  	_ =	swait.ge [sflag:s25], $0x1000  }
0x3b: {  	[sflag:s25] =	ssyncset.done $0x0  }
0x3c: {  	[sflag:s25] =	ssyncadd.s32 $0xFFFFF000  }
0x3d: {  	v1 =	vld.idx.msk [tilespmem:v1+s5+$0x0], $0xffff  }
0x3e: {  	v0 =	vld.idx.msk [tilespmem:v0+s4+$0x0], $0xffff;
	_ =	sdelay $0x3  }
0x3f: {  	v1 =	vmul.f32 v1, v1  }
0x40: {  	v0 =	vmax.f32 v0, $9.999999960e-13  }
0x41: {  	v63 =	vimm.s32 $0x0;
	vm15 =	vle.f32 v0, v1  }
0x42: {  	v0 =	vsel vm15, $0x1, v63  }
0x43: {  	s26 =	sadd.s32 $0x1200, s2;
	s28 =	simm.s32 $0x9480;
	s29 =	simm.s32 $0x4;
	[tilespmem:$0x9480] =	vst v0  }
0x44: {  	[hbm4b:s26+s3] =	stream.linear.scatter [tilespmem:s28], [sflag:$0x5], $0x80, $0x38;
	[tilespmem:$0x9500] =	vst v63  }
0x45: {  	_ =	swait.ge [sflag:s29], $0x8000  }
0x46: {  	[sflag:s29] =	ssyncset.done $0x0  }
0x47: {  	s30 =	simm.s32 $0x5;
	[sflag:s29] =	ssyncadd.s32 $0xFFFF8000  }
0x48: {  	[hbm4b:s1+s3] =	stream.linear.scatter [tilespmem:s7], [sflag:$0x6], $0x8000, $0x38;
	[tilespmem:$0x9500] =	vst v63  }
0x49: {  	_ =	swait.ge [sflag:s30], $0x80  }
0x4a: {  	[sflag:s30] =	ssyncset.done $0x0  }
0x4b: {  	s31 =	simm.s32 $0x6;
	[sflag:s30] =	ssyncadd.s32 $0xFFFFFF80  }
0x4c: {  	_ =	swait.ge [sflag:s31], $0x8000  }
0x4d: {  	[sflag:s31] =	ssyncset.done $0x0  }
0x4e: {  	[sflag:s31] =	ssyncadd.s32 $0xFFFF8000  }
.LBB2_2:
0x4f: {  	_ =	sfence.sel $0x180000  }
0x50: {  	[bflag:$0x0] =	sbarrier.arrive $0xFFFF  }
0x51: {  	_ =	strace $0x90000047  }
0x52: {  	s0 =	sadd.s32 @!p0 $0x100000, s0;
	[bflag:$0x2] =	sbarrier.arrive $0xFFFF  }
0x53: {  	[sflag:s0] =	ssyncadd.tile.s32 @!p0 $0x1;
	_ =	shalt  }
.Lfunc_end2:
_tile_overlayer_lowered:
.L_overlay_start_2:
0x54: {  	(tag) =	ssettag $0x2  }
0x55: {  	s0 =	rddreg [dreg:$0x0];
	s2 =	stileid.u32  }
0x56: {  	s1 =	rddreg [dreg:$0x1];
	p0 =	sne.s32 s2, $0x0  }
0x57: {  	s3 =	rddreg [dreg:$0x2];
	[bflag:$0x3] =	sbarrier.arrive $0xFFFF;
	s2 =	simm.s32 @!p0 $0x1C07  }
0x58: {  	[timem:s3], [sflag:s2] =	dma.local @!p0 [hbm:s0], s1  }
0x59: {  	s0 =	simm.s32 @!p0 $0x7  }
0x5a: {  	_ =	swait.ge @!p0 [sflag:s0], s1  }
0x5b: {  	s1 =	ssub.s32 @!p0 $0x0, s1;
	[sflag:s0] =	ssyncset.done @!p0 $0x0  }
0x5c: {  	[sflag:s0] =	ssyncadd.s32 @!p0 s1  }
0x5d: {  	[bflag:$0x3] =	sbarrier.arrive $0xFFFF  }
0x5e: {  	_ =	shalt  }

</sc_bundles>
